<compile_context>
chip_gen: v7x
topology: tpu7x:2x2x1
jax: 0.10.2.dev20260603
libtpu: 0.0.44.dev20260713+nightly
codegen_flags: <defaults>
</compile_context>

<pallas_src>
import functools

import jax
import jax.numpy as jnp
from jax import lax
from jax.experimental import pallas as pl
from jax.experimental.pallas import tpu as pltpu
from jax.experimental.pallas import tpu_sc as plsc

_R, _S = 16384, 26
_V, _D = 10000, 64
_N = _R * _S
_H = _R // 2
_NC, _NS = 2, 16
_NW = _NC * _NS
_IPW = _R // _NW
_N_PAIRS = _S // 2

_SD = _S * _D
_B1 = 2048


def _sc_gather(idx_t, table):
    mesh = plsc.VectorSubcoreMesh(core_axis_name="c", subcore_axis_name="s")

    @functools.partial(
        pl.kernel,
        mesh=mesh,
        out_type=jax.ShapeDtypeStruct((_N // 2, 2 * _D), jnp.float32),
        scratch_types=[
            pltpu.VMEM((_S, _IPW), jnp.int32),
            pltpu.VMEM((_IPW, _D), jnp.float32),
            pltpu.VMEM((_IPW, _D), jnp.float32),
            pltpu.SemaphoreType.DMA,
            pltpu.SemaphoreType.DMA,
            pltpu.SemaphoreType.DMA,
            pltpu.SemaphoreType.DMA,
        ],
        compiler_params=pltpu.CompilerParams(use_tc_tiling_on_sc=False),
    )
    def k(idx_hbm, table_hbm, out_hbm, idx_all, rows0, rows1, sg0, sg1, sw0, sw1):
        wid = lax.axis_index("s") * _NC + lax.axis_index("c")
        base = wid * _IPW
        pltpu.sync_copy(idx_hbm.at[pl.ds(0, _S), pl.ds(base, _IPW)], idx_all)

        def gather(j, buf, sem):
            pltpu.async_copy(table_hbm.at[idx_all.at[j]], buf, sem)

        def wait_gather(j, buf, sem):
            pltpu.make_async_copy(table_hbm.at[idx_all.at[j]], buf, sem).wait()

        def write(j, buf, sem):
            pltpu.async_copy(
                buf,
                out_hbm.at[
                    pl.ds((j // 2) * _R + base, _IPW), pl.ds((j % 2) * _D, _D)
                ],
                sem,
            )

        def wait_write(j, buf, sem):
            pltpu.make_async_copy(
                buf,
                out_hbm.at[
                    pl.ds((j // 2) * _R + base, _IPW), pl.ds((j % 2) * _D, _D)
                ],
                sem,
            ).wait()

        gather(0, rows0, sg0)

        def body(g, carry):
            c0 = 2 * g
            c1 = c0 + 1
            wait_gather(c0, rows0, sg0)
            write(c0, rows0, sw0)

            @pl.when(g > 0)
            def _():
                wait_write(c0 - 1, rows1, sw1)

            gather(c1, rows1, sg1)
            wait_gather(c1, rows1, sg1)
            write(c1, rows1, sw1)
            wait_write(c0, rows0, sw0)

            @pl.when(g < _N_PAIRS - 1)
            def _():
                gather(c0 + 2, rows0, sg0)

            return carry

        lax.fori_loop(0, _N_PAIRS, body, 0)
        wait_write(_S - 1, rows1, sw1)

    return k(idx_t, table)


def _tc_transpose_kernel(x_ref, y_ref):
    y_ref[...] = x_ref[...].T


def _tc_transpose(x2):
    nb = _R // _B1
    return pl.pallas_call(
        _tc_transpose_kernel,
        grid=(_S // 2, nb),
        in_specs=[pl.BlockSpec((_B1, 128), lambda u, b: (u * nb + b, 0))],
        out_specs=pl.BlockSpec((128, _B1), lambda u, b: (u, b)),
        out_shape=jax.ShapeDtypeStruct((_SD, _R), jnp.float32),
    )(x2)


def kernel(data, embeddings):
    idx_t = data.T
    flat = _sc_gather(idx_t, embeddings)
    y = _tc_transpose(flat)
    return jnp.transpose(y.reshape(_S, _D, _R), (2, 0, 1))

# --- scband reference (transcript-rebuilt; emitter-appended) ---
"""Pipeline reference for scband-points-21638045237962 (READ-ONLY COPY).

The authoritative reference and input builder live on the scoring server;
editing this copy changes nothing except your own understanding.
"""

import jax, jax.numpy as jnp
import numpy as np

def setup_inputs(seed: int = 0) -> dict:
    key = jax.random.key(seed)
    k1, k2 = jax.random.split(key)
    data = jax.random.randint(k1, (16384, 26), 0, 10000, dtype=jnp.int64 if jax.config.jax_enable_x64 else jnp.int32)
    embeddings = jax.random.uniform(k2, (10000, 64), dtype=jnp.float32)
    return {"data": data, "embeddings": embeddings}

def reference(data, embeddings):
    # Points.forward: return self.embeddings[data]
    return jnp.take(embeddings, data, axis=0)

if __name__ == "__main__":
    import jax
    _d = setup_inputs()
    print(jax.jit(kernel)(*tuple(_d.values())))

</pallas_src>

<mosaic_0001>
#map = affine_map<(d0, d1) -> (0, 0)>
module attributes {stable_mosaic.version = 14 : i64} {
  func.func @k(%arg0: i32, %arg1: i32, %arg2: memref<26x16384xi32, #tpu.memory_space<hbm>>, %arg3: memref<10000x64xf32, #tpu.memory_space<hbm>>, %arg4: memref<212992x128xf32, #tpu.memory_space<hbm>>, %arg5: memref<26x512xi32, #tpu.memory_space<vmem>>, %arg6: memref<512x64xf32, #tpu.memory_space<vmem>>, %arg7: memref<512x64xf32, #tpu.memory_space<vmem>>, %arg8: memref<!tpu.dma_semaphore, #tpu.memory_space<semaphore_mem>>, %arg9: memref<!tpu.dma_semaphore, #tpu.memory_space<semaphore_mem>>, %arg10: memref<!tpu.dma_semaphore, #tpu.memory_space<semaphore_mem>>, %arg11: memref<!tpu.dma_semaphore, #tpu.memory_space<semaphore_mem>>) attributes {dimension_semantics = [#tpu.dimension_semantics<core_parallel>, #tpu.dimension_semantics<subcore_parallel>], iteration_bounds = array<i64: 2, 16>, scalar_prefetch = 0 : i64, scratch_operands = 7 : i64, tpu.core_type = #tpu.core_type<sc_vector_subcore>, window_params = [{transform_indices = #map}, {transform_indices = #map}, {transform_indices = #map}]} {
    %mul3A = arith.constant 2 : i32
    %mul3A_0 = arith.muli %arg1, %mul3A : i32
    %add3A = arith.addi %mul3A_0, %arg0 : i32
    %mul3A_1 = arith.constant 512 : i32
    %mul3A_2 = arith.muli %add3A, %mul3A_1 : i32
    "tpu.region"() ({
      %run_scoped3A = tpu.sem_alloc : memref<!tpu.dma_semaphore, #tpu.memory_space<semaphore_mem>>
      %dma_start3A_19 = arith.constant 0 : i32
      %dma_start3A_20 = tpu.memref_slice %arg2[%dma_start3A_19, %mul3A_2] : memref<26x16384xi32, #tpu.memory_space<hbm>> -> memref<26x512xi32, #tpu.memory_space<hbm>>
      %dma_start3A_21 = arith.constant 0 : i32
      %dma_start3A_22 = tpu.memref_slice %arg2[%dma_start3A_21, %mul3A_2] : memref<26x16384xi32, #tpu.memory_space<hbm>> -> memref<26x512xi32, #tpu.memory_space<hbm>>
      tpu.enqueue_dma source(%dma_start3A_22 : memref<26x512xi32, #tpu.memory_space<hbm>>) target(%arg5 : memref<26x512xi32, #tpu.memory_space<vmem>>) target_semaphore(%run_scoped3A : memref<!tpu.dma_semaphore, #tpu.memory_space<semaphore_mem>>)
      %dma_wait3A_23 = arith.constant 0 : i32
      %dma_wait3A_24 = tpu.memref_slice %arg2[%dma_wait3A_23, %mul3A_2] : memref<26x16384xi32, #tpu.memory_space<hbm>> -> memref<26x512xi32, #tpu.memory_space<hbm>>
      %dma_wait3A_25 = arith.constant 0 : i32
      %dma_wait3A_26 = tpu.memref_slice %arg2[%dma_wait3A_25, %mul3A_2] : memref<26x16384xi32, #tpu.memory_space<hbm>> -> memref<26x512xi32, #tpu.memory_space<hbm>>
      tpu.wait_dma2 semaphore(%run_scoped3A : memref<!tpu.dma_semaphore, #tpu.memory_space<semaphore_mem>>) src(%dma_wait3A_26 : memref<26x512xi32, #tpu.memory_space<hbm>>) dst(%arg5 : memref<26x512xi32, #tpu.memory_space<vmem>>)
      tpu.yield
    }) : () -> ()
    %dma_start3A = arith.constant 0 : i32
    %dma_start3A_3 = arith.constant 0 : i32
    %dma_start3A_4 = tpu.memref_slice %arg5[%dma_start3A, %dma_start3A_3] : memref<26x512xi32, #tpu.memory_space<vmem>> -> memref<1x512xi32, #tpu.memory_space<vmem>>
    %dma_start3A_5 = tpu.memref_squeeze %dma_start3A_4 : memref<1x512xi32, #tpu.memory_space<vmem>> -> memref<512xi32, #tpu.memory_space<vmem>>
    %dma_start3A_6 = arith.constant 0 : i32
    %dma_start3A_7 = arith.constant 0 : i32
    %dma_start3A_8 = tpu.memref_slice %arg3[%dma_start3A_6, %dma_start3A_7] : memref<10000x64xf32, #tpu.memory_space<hbm>> -> memref<10000x64xf32, #tpu.memory_space<hbm>>
    tpu.enqueue_indirect_dma source(%dma_start3A_8 : memref<10000x64xf32, #tpu.memory_space<hbm>>) target(%arg6 : memref<512x64xf32, #tpu.memory_space<vmem>>) offsets(%dma_start3A_5 : memref<512xi32, #tpu.memory_space<vmem>>) semaphore(%arg8 : memref<!tpu.dma_semaphore, #tpu.memory_space<semaphore_mem>>)
    %scan3A = arith.constant 0 : i32
    %scan3A_9 = arith.constant 0 : i32
    %scan3A_10 = arith.constant 13 : i32
    %scan3A_11 = arith.addi %scan3A_9, %scan3A_10 : i32
    %scan3A_12 = arith.constant 1 : i32
    scf.for %scan3A_19 = %scan3A_9 to %scan3A_11 step %scan3A_12  : i32 {
      %mul3A_20 = arith.constant 2 : i32
      %mul3A_21 = arith.muli %mul3A_20, %scan3A_19 : i32
      %add3A_22 = arith.constant 1 : i32
      %add3A_23 = arith.addi %mul3A_21, %add3A_22 : i32
      %dma_wait3A_24 = arith.constant 0 : i32
      %dma_wait3A_25 = tpu.memref_slice %arg5[%mul3A_21, %dma_wait3A_24] : memref<26x512xi32, #tpu.memory_space<vmem>> -> memref<1x512xi32, #tpu.memory_space<vmem>>
      %dma_wait3A_26 = tpu.memref_squeeze %dma_wait3A_25 : memref<1x512xi32, #tpu.memory_space<vmem>> -> memref<512xi32, #tpu.memory_space<vmem>>
      %dma_wait3A_27 = arith.constant 0 : i32
      %dma_wait3A_28 = arith.constant 0 : i32
      %dma_wait3A_29 = tpu.memref_slice %arg3[%dma_wait3A_27, %dma_wait3A_28] : memref<10000x64xf32, #tpu.memory_space<hbm>> -> memref<10000x64xf32, #tpu.memory_space<hbm>>
      tpu.wait_indirect_dma semaphore(%arg8 : memref<!tpu.dma_semaphore, #tpu.memory_space<semaphore_mem>>) src(%dma_wait3A_29 : memref<10000x64xf32, #tpu.memory_space<hbm>>) dst(%arg6 : memref<512x64xf32, #tpu.memory_space<vmem>>)
      %jit3A = arith.constant 2 : i32
      %div3A = arith.divsi %mul3A_21, %jit3A : i32
      %sign3A = arith.constant 0 : i32
      %sign3A_30 = arith.cmpi sgt, %mul3A_21, %sign3A : i32
      %sign3A_31 = arith.extui %sign3A_30 : i1 to i32
      %sign3A_32 = arith.constant 0 : i32
      %sign3A_33 = arith.cmpi slt, %mul3A_21, %sign3A_32 : i32
      %sign3A_34 = arith.extui %sign3A_33 : i1 to i32
      %sign3A_35 = arith.subi %sign3A_31, %sign3A_34 : i32
      %sign3A_36 = arith.constant 0 : i32
      %sign3A_37 = arith.cmpi sgt, %jit3A, %sign3A_36 : i32
      %sign3A_38 = arith.extui %sign3A_37 : i1 to i32
      %sign3A_39 = arith.constant 0 : i32
      %sign3A_40 = arith.cmpi slt, %jit3A, %sign3A_39 : i32
      %sign3A_41 = arith.extui %sign3A_40 : i1 to i32
      %sign3A_42 = arith.subi %sign3A_38, %sign3A_41 : i32
      %ne3A = arith.cmpi ne, %sign3A_35, %sign3A_42 : i32
      %rem3A = arith.remsi %mul3A_21, %jit3A : i32
      %ne3A_43 = arith.constant 0 : i32
      %ne3A_44 = arith.cmpi ne, %rem3A, %ne3A_43 : i32
      %and3A = arith.andi %ne3A, %ne3A_44 : i1
      %sub3A = arith.constant 1 : i32
      %sub3A_45 = arith.subi %div3A, %sub3A : i32
      %select_n3A = arith.select %and3A, %sub3A_45, %div3A : i32
      %mul3A_46 = arith.constant 16384 : i32
      %mul3A_47 = arith.muli %select_n3A, %mul3A_46 : i32
      %add3A_48 = arith.addi %mul3A_47, %mul3A_2 : i32
      %jit3A_49 = arith.constant 2 : i32
      %eq3A = arith.constant 0 : i32
      %eq3A_50 = arith.cmpi eq, %jit3A_49, %eq3A : i32
      %jit3A_51 = arith.constant 1 : i32
      %select_n3A_52 = arith.select %eq3A_50, %jit3A_51, %jit3A_49 : i32
      %rem3A_53 = arith.remsi %mul3A_21, %select_n3A_52 : i32
      %ne3A_54 = arith.constant 0 : i32
      %ne3A_55 = arith.cmpi ne, %rem3A_53, %ne3A_54 : i32
      %lt3A = arith.constant 0 : i32
      %lt3A_56 = arith.cmpi slt, %rem3A_53, %lt3A : i32
      %lt3A_57 = arith.constant 0 : i32
      %lt3A_58 = arith.cmpi slt, %select_n3A_52, %lt3A_57 : i32
      %ne3A_59 = arith.xori %lt3A_56, %lt3A_58 : i1
      %and3A_60 = arith.andi %ne3A_59, %ne3A_55 : i1
      %add3A_61 = arith.addi %rem3A_53, %select_n3A_52 : i32
      %select_n3A_62 = arith.select %and3A_60, %add3A_61, %rem3A_53 : i32
      %mul3A_63 = arith.constant 64 : i32
      %mul3A_64 = arith.muli %select_n3A_62, %mul3A_63 : i32
      %dma_start3A_65 = tpu.memref_slice %arg4[%add3A_48, %mul3A_64] : memref<212992x128xf32, #tpu.memory_space<hbm>> -> memref<512x64xf32, #tpu.memory_space<hbm>>
      %dma_start3A_66 = tpu.memref_slice %arg4[%add3A_48, %mul3A_64] : memref<212992x128xf32, #tpu.memory_space<hbm>> -> memref<512x64xf32, #tpu.memory_space<hbm>>
      tpu.enqueue_dma source(%arg6 : memref<512x64xf32, #tpu.memory_space<vmem>>) target(%dma_start3A_66 : memref<512x64xf32, #tpu.memory_space<hbm>>) target_semaphore(%arg10 : memref<!tpu.dma_semaphore, #tpu.memory_space<semaphore_mem>>)
      %gt3A = arith.constant 0 : i32
      %gt3A_67 = arith.cmpi sgt, %scan3A_19, %gt3A : i32
      %convert_element_type3A = arith.extui %gt3A_67 : i1 to i32
      %cond3A = arith.constant 0 : i32
      %cond3A_68 = arith.cmpi ne, %convert_element_type3A, %cond3A : i32
      scf.if %cond3A_68 {
        %sub3A_180 = arith.constant 1 : i32
        %sub3A_181 = arith.subi %mul3A_21, %sub3A_180 : i32
        %jit3A_182 = arith.constant 2 : i32
        %div3A_183 = arith.divsi %sub3A_181, %jit3A_182 : i32
        %sign3A_184 = arith.constant 0 : i32
        %sign3A_185 = arith.cmpi sgt, %sub3A_181, %sign3A_184 : i32
        %sign3A_186 = arith.extui %sign3A_185 : i1 to i32
        %sign3A_187 = arith.constant 0 : i32
        %sign3A_188 = arith.cmpi slt, %sub3A_181, %sign3A_187 : i32
        %sign3A_189 = arith.extui %sign3A_188 : i1 to i32
        %sign3A_190 = arith.subi %sign3A_186, %sign3A_189 : i32
        %sign3A_191 = arith.constant 0 : i32
        %sign3A_192 = arith.cmpi sgt, %jit3A_182, %sign3A_191 : i32
        %sign3A_193 = arith.extui %sign3A_192 : i1 to i32
        %sign3A_194 = arith.constant 0 : i32
        %sign3A_195 = arith.cmpi slt, %jit3A_182, %sign3A_194 : i32
        %sign3A_196 = arith.extui %sign3A_195 : i1 to i32
        %sign3A_197 = arith.subi %sign3A_193, %sign3A_196 : i32
        %ne3A_198 = arith.cmpi ne, %sign3A_190, %sign3A_197 : i32
        %rem3A_199 = arith.remsi %sub3A_181, %jit3A_182 : i32
        %ne3A_200 = arith.constant 0 : i32
        %ne3A_201 = arith.cmpi ne, %rem3A_199, %ne3A_200 : i32
        %and3A_202 = arith.andi %ne3A_198, %ne3A_201 : i1
        %sub3A_203 = arith.constant 1 : i32
        %sub3A_204 = arith.subi %div3A_183, %sub3A_203 : i32
        %select_n3A_205 = arith.select %and3A_202, %sub3A_204, %div3A_183 : i32
        %mul3A_206 = arith.constant 16384 : i32
        %mul3A_207 = arith.muli %select_n3A_205, %mul3A_206 : i32
        %add3A_208 = arith.addi %mul3A_207, %mul3A_2 : i32
        %jit3A_209 = arith.constant 2 : i32
        %eq3A_210 = arith.constant 0 : i32
        %eq3A_211 = arith.cmpi eq, %jit3A_209, %eq3A_210 : i32
        %jit3A_212 = arith.constant 1 : i32
        %select_n3A_213 = arith.select %eq3A_211, %jit3A_212, %jit3A_209 : i32
        %rem3A_214 = arith.remsi %sub3A_181, %select_n3A_213 : i32
        %ne3A_215 = arith.constant 0 : i32
        %ne3A_216 = arith.cmpi ne, %rem3A_214, %ne3A_215 : i32
        %lt3A_217 = arith.constant 0 : i32
        %lt3A_218 = arith.cmpi slt, %rem3A_214, %lt3A_217 : i32
        %lt3A_219 = arith.constant 0 : i32
        %lt3A_220 = arith.cmpi slt, %select_n3A_213, %lt3A_219 : i32
        %ne3A_221 = arith.xori %lt3A_218, %lt3A_220 : i1
        %and3A_222 = arith.andi %ne3A_221, %ne3A_216 : i1
        %add3A_223 = arith.addi %rem3A_214, %select_n3A_213 : i32
        %select_n3A_224 = arith.select %and3A_222, %add3A_223, %rem3A_214 : i32
        %mul3A_225 = arith.constant 64 : i32
        %mul3A_226 = arith.muli %select_n3A_224, %mul3A_225 : i32
        %dma_wait3A_227 = tpu.memref_slice %arg4[%add3A_208, %mul3A_226] : memref<212992x128xf32, #tpu.memory_space<hbm>> -> memref<512x64xf32, #tpu.memory_space<hbm>>
        %dma_wait3A_228 = tpu.memref_slice %arg4[%add3A_208, %mul3A_226] : memref<212992x128xf32, #tpu.memory_space<hbm>> -> memref<512x64xf32, #tpu.memory_space<hbm>>
        tpu.wait_dma2 semaphore(%arg11 : memref<!tpu.dma_semaphore, #tpu.memory_space<semaphore_mem>>) src(%arg7 : memref<512x64xf32, #tpu.memory_space<vmem>>) dst(%dma_wait3A_228 : memref<512x64xf32, #tpu.memory_space<hbm>>)
      } else {
      }
      %dma_start3A_69 = arith.constant 0 : i32
      %dma_start3A_70 = tpu.memref_slice %arg5[%add3A_23, %dma_start3A_69] : memref<26x512xi32, #tpu.memory_space<vmem>> -> memref<1x512xi32, #tpu.memory_space<vmem>>
      %dma_start3A_71 = tpu.memref_squeeze %dma_start3A_70 : memref<1x512xi32, #tpu.memory_space<vmem>> -> memref<512xi32, #tpu.memory_space<vmem>>
      %dma_start3A_72 = arith.constant 0 : i32
      %dma_start3A_73 = arith.constant 0 : i32
      %dma_start3A_74 = tpu.memref_slice %arg3[%dma_start3A_72, %dma_start3A_73] : memref<10000x64xf32, #tpu.memory_space<hbm>> -> memref<10000x64xf32, #tpu.memory_space<hbm>>
      tpu.enqueue_indirect_dma source(%dma_start3A_74 : memref<10000x64xf32, #tpu.memory_space<hbm>>) target(%arg7 : memref<512x64xf32, #tpu.memory_space<vmem>>) offsets(%dma_start3A_71 : memref<512xi32, #tpu.memory_space<vmem>>) semaphore(%arg9 : memref<!tpu.dma_semaphore, #tpu.memory_space<semaphore_mem>>)
      %dma_wait3A_75 = arith.constant 0 : i32
      %dma_wait3A_76 = tpu.memref_slice %arg5[%add3A_23, %dma_wait3A_75] : memref<26x512xi32, #tpu.memory_space<vmem>> -> memref<1x512xi32, #tpu.memory_space<vmem>>
      %dma_wait3A_77 = tpu.memref_squeeze %dma_wait3A_76 : memref<1x512xi32, #tpu.memory_space<vmem>> -> memref<512xi32, #tpu.memory_space<vmem>>
      %dma_wait3A_78 = arith.constant 0 : i32
      %dma_wait3A_79 = arith.constant 0 : i32
      %dma_wait3A_80 = tpu.memref_slice %arg3[%dma_wait3A_78, %dma_wait3A_79] : memref<10000x64xf32, #tpu.memory_space<hbm>> -> memref<10000x64xf32, #tpu.memory_space<hbm>>
      tpu.wait_indirect_dma semaphore(%arg9 : memref<!tpu.dma_semaphore, #tpu.memory_space<semaphore_mem>>) src(%dma_wait3A_80 : memref<10000x64xf32, #tpu.memory_space<hbm>>) dst(%arg7 : memref<512x64xf32, #tpu.memory_space<vmem>>)
      %jit3A_81 = arith.constant 2 : i32
      %div3A_82 = arith.divsi %add3A_23, %jit3A_81 : i32
      %sign3A_83 = arith.constant 0 : i32
      %sign3A_84 = arith.cmpi sgt, %add3A_23, %sign3A_83 : i32
      %sign3A_85 = arith.extui %sign3A_84 : i1 to i32
      %sign3A_86 = arith.constant 0 : i32
      %sign3A_87 = arith.cmpi slt, %add3A_23, %sign3A_86 : i32
      %sign3A_88 = arith.extui %sign3A_87 : i1 to i32
      %sign3A_89 = arith.subi %sign3A_85, %sign3A_88 : i32
      %sign3A_90 = arith.constant 0 : i32
      %sign3A_91 = arith.cmpi sgt, %jit3A_81, %sign3A_90 : i32
      %sign3A_92 = arith.extui %sign3A_91 : i1 to i32
      %sign3A_93 = arith.constant 0 : i32
      %sign3A_94 = arith.cmpi slt, %jit3A_81, %sign3A_93 : i32
      %sign3A_95 = arith.extui %sign3A_94 : i1 to i32
      %sign3A_96 = arith.subi %sign3A_92, %sign3A_95 : i32
      %ne3A_97 = arith.cmpi ne, %sign3A_89, %sign3A_96 : i32
      %rem3A_98 = arith.remsi %add3A_23, %jit3A_81 : i32
      %ne3A_99 = arith.constant 0 : i32
      %ne3A_100 = arith.cmpi ne, %rem3A_98, %ne3A_99 : i32
      %and3A_101 = arith.andi %ne3A_97, %ne3A_100 : i1
      %sub3A_102 = arith.constant 1 : i32
      %sub3A_103 = arith.subi %div3A_82, %sub3A_102 : i32
      %select_n3A_104 = arith.select %and3A_101, %sub3A_103, %div3A_82 : i32
      %mul3A_105 = arith.constant 16384 : i32
      %mul3A_106 = arith.muli %select_n3A_104, %mul3A_105 : i32
      %add3A_107 = arith.addi %mul3A_106, %mul3A_2 : i32
      %jit3A_108 = arith.constant 2 : i32
      %eq3A_109 = arith.constant 0 : i32
      %eq3A_110 = arith.cmpi eq, %jit3A_108, %eq3A_109 : i32
      %jit3A_111 = arith.constant 1 : i32
      %select_n3A_112 = arith.select %eq3A_110, %jit3A_111, %jit3A_108 : i32
      %rem3A_113 = arith.remsi %add3A_23, %select_n3A_112 : i32
      %ne3A_114 = arith.constant 0 : i32
      %ne3A_115 = arith.cmpi ne, %rem3A_113, %ne3A_114 : i32
      %lt3A_116 = arith.constant 0 : i32
      %lt3A_117 = arith.cmpi slt, %rem3A_113, %lt3A_116 : i32
      %lt3A_118 = arith.constant 0 : i32
      %lt3A_119 = arith.cmpi slt, %select_n3A_112, %lt3A_118 : i32
      %ne3A_120 = arith.xori %lt3A_117, %lt3A_119 : i1
      %and3A_121 = arith.andi %ne3A_120, %ne3A_115 : i1
      %add3A_122 = arith.addi %rem3A_113, %select_n3A_112 : i32
      %select_n3A_123 = arith.select %and3A_121, %add3A_122, %rem3A_113 : i32
      %mul3A_124 = arith.constant 64 : i32
      %mul3A_125 = arith.muli %select_n3A_123, %mul3A_124 : i32
      %dma_start3A_126 = tpu.memref_slice %arg4[%add3A_107, %mul3A_125] : memref<212992x128xf32, #tpu.memory_space<hbm>> -> memref<512x64xf32, #tpu.memory_space<hbm>>
      %dma_start3A_127 = tpu.memref_slice %arg4[%add3A_107, %mul3A_125] : memref<212992x128xf32, #tpu.memory_space<hbm>> -> memref<512x64xf32, #tpu.memory_space<hbm>>
      tpu.enqueue_dma source(%arg7 : memref<512x64xf32, #tpu.memory_space<vmem>>) target(%dma_start3A_127 : memref<512x64xf32, #tpu.memory_space<hbm>>) target_semaphore(%arg11 : memref<!tpu.dma_semaphore, #tpu.memory_space<semaphore_mem>>)
      %jit3A_128 = arith.constant 2 : i32
      %div3A_129 = arith.divsi %mul3A_21, %jit3A_128 : i32
      %sign3A_130 = arith.constant 0 : i32
      %sign3A_131 = arith.cmpi sgt, %mul3A_21, %sign3A_130 : i32
      %sign3A_132 = arith.extui %sign3A_131 : i1 to i32
      %sign3A_133 = arith.constant 0 : i32
      %sign3A_134 = arith.cmpi slt, %mul3A_21, %sign3A_133 : i32
      %sign3A_135 = arith.extui %sign3A_134 : i1 to i32
      %sign3A_136 = arith.subi %sign3A_132, %sign3A_135 : i32
      %sign3A_137 = arith.constant 0 : i32
      %sign3A_138 = arith.cmpi sgt, %jit3A_128, %sign3A_137 : i32
      %sign3A_139 = arith.extui %sign3A_138 : i1 to i32
      %sign3A_140 = arith.constant 0 : i32
      %sign3A_141 = arith.cmpi slt, %jit3A_128, %sign3A_140 : i32
      %sign3A_142 = arith.extui %sign3A_141 : i1 to i32
      %sign3A_143 = arith.subi %sign3A_139, %sign3A_142 : i32
      %ne3A_144 = arith.cmpi ne, %sign3A_136, %sign3A_143 : i32
      %rem3A_145 = arith.remsi %mul3A_21, %jit3A_128 : i32
      %ne3A_146 = arith.constant 0 : i32
      %ne3A_147 = arith.cmpi ne, %rem3A_145, %ne3A_146 : i32
      %and3A_148 = arith.andi %ne3A_144, %ne3A_147 : i1
      %sub3A_149 = arith.constant 1 : i32
      %sub3A_150 = arith.subi %div3A_129, %sub3A_149 : i32
      %select_n3A_151 = arith.select %and3A_148, %sub3A_150, %div3A_129 : i32
      %mul3A_152 = arith.constant 16384 : i32
      %mul3A_153 = arith.muli %select_n3A_151, %mul3A_152 : i32
      %add3A_154 = arith.addi %mul3A_153, %mul3A_2 : i32
      %jit3A_155 = arith.constant 2 : i32
      %eq3A_156 = arith.constant 0 : i32
      %eq3A_157 = arith.cmpi eq, %jit3A_155, %eq3A_156 : i32
      %jit3A_158 = arith.constant 1 : i32
      %select_n3A_159 = arith.select %eq3A_157, %jit3A_158, %jit3A_155 : i32
      %rem3A_160 = arith.remsi %mul3A_21, %select_n3A_159 : i32
      %ne3A_161 = arith.constant 0 : i32
      %ne3A_162 = arith.cmpi ne, %rem3A_160, %ne3A_161 : i32
      %lt3A_163 = arith.constant 0 : i32
      %lt3A_164 = arith.cmpi slt, %rem3A_160, %lt3A_163 : i32
      %lt3A_165 = arith.constant 0 : i32
      %lt3A_166 = arith.cmpi slt, %select_n3A_159, %lt3A_165 : i32
      %ne3A_167 = arith.xori %lt3A_164, %lt3A_166 : i1
      %and3A_168 = arith.andi %ne3A_167, %ne3A_162 : i1
      %add3A_169 = arith.addi %rem3A_160, %select_n3A_159 : i32
      %select_n3A_170 = arith.select %and3A_168, %add3A_169, %rem3A_160 : i32
      %mul3A_171 = arith.constant 64 : i32
      %mul3A_172 = arith.muli %select_n3A_170, %mul3A_171 : i32
      %dma_wait3A_173 = tpu.memref_slice %arg4[%add3A_154, %mul3A_172] : memref<212992x128xf32, #tpu.memory_space<hbm>> -> memref<512x64xf32, #tpu.memory_space<hbm>>
      %dma_wait3A_174 = tpu.memref_slice %arg4[%add3A_154, %mul3A_172] : memref<212992x128xf32, #tpu.memory_space<hbm>> -> memref<512x64xf32, #tpu.memory_space<hbm>>
      tpu.wait_dma2 semaphore(%arg10 : memref<!tpu.dma_semaphore, #tpu.memory_space<semaphore_mem>>) src(%arg6 : memref<512x64xf32, #tpu.memory_space<vmem>>) dst(%dma_wait3A_174 : memref<512x64xf32, #tpu.memory_space<hbm>>)
      %lt3A_175 = arith.constant 12 : i32
      %lt3A_176 = arith.cmpi slt, %scan3A_19, %lt3A_175 : i32
      %convert_element_type3A_177 = arith.extui %lt3A_176 : i1 to i32
      %cond3A_178 = arith.constant 0 : i32
      %cond3A_179 = arith.cmpi ne, %convert_element_type3A_177, %cond3A_178 : i32
      scf.if %cond3A_179 {
        %add3A_180 = arith.constant 2 : i32
        %add3A_181 = arith.addi %mul3A_21, %add3A_180 : i32
        %dma_start3A_182 = arith.constant 0 : i32
        %dma_start3A_183 = tpu.memref_slice %arg5[%add3A_181, %dma_start3A_182] : memref<26x512xi32, #tpu.memory_space<vmem>> -> memref<1x512xi32, #tpu.memory_space<vmem>>
        %dma_start3A_184 = tpu.memref_squeeze %dma_start3A_183 : memref<1x512xi32, #tpu.memory_space<vmem>> -> memref<512xi32, #tpu.memory_space<vmem>>
        %dma_start3A_185 = arith.constant 0 : i32
        %dma_start3A_186 = arith.constant 0 : i32
        %dma_start3A_187 = tpu.memref_slice %arg3[%dma_start3A_185, %dma_start3A_186] : memref<10000x64xf32, #tpu.memory_space<hbm>> -> memref<10000x64xf32, #tpu.memory_space<hbm>>
        tpu.enqueue_indirect_dma source(%dma_start3A_187 : memref<10000x64xf32, #tpu.memory_space<hbm>>) target(%arg6 : memref<512x64xf32, #tpu.memory_space<vmem>>) offsets(%dma_start3A_184 : memref<512xi32, #tpu.memory_space<vmem>>) semaphore(%arg8 : memref<!tpu.dma_semaphore, #tpu.memory_space<semaphore_mem>>)
      } else {
      }
    }
    %scan3A_13 = arith.constant 13 : i32
    %add3A_14 = arith.constant 196608 : i32
    %add3A_15 = arith.addi %add3A_14, %mul3A_2 : i32
    %dma_wait3A = arith.constant 64 : i32
    %dma_wait3A_16 = tpu.memref_slice %arg4[%add3A_15, %dma_wait3A] : memref<212992x128xf32, #tpu.memory_space<hbm>> -> memref<512x64xf32, #tpu.memory_space<hbm>>
    %dma_wait3A_17 = arith.constant 64 : i32
    %dma_wait3A_18 = tpu.memref_slice %arg4[%add3A_15, %dma_wait3A_17] : memref<212992x128xf32, #tpu.memory_space<hbm>> -> memref<512x64xf32, #tpu.memory_space<hbm>>
    tpu.wait_dma2 semaphore(%arg11 : memref<!tpu.dma_semaphore, #tpu.memory_space<semaphore_mem>>) src(%arg7 : memref<512x64xf32, #tpu.memory_space<vmem>>) dst(%dma_wait3A_18 : memref<512x64xf32, #tpu.memory_space<hbm>>)
    return
  }
}

module attributes {stable_mosaic.version = 14 : i64} {
  func.func @_tc_transpose_kernel(%arg0: i32, %arg1: i32, %arg2: memref<2048x128xf32, #tpu.memory_space<vmem>>, %arg3: memref<128x2048xf32, #tpu.memory_space<vmem>>) attributes {dimension_semantics = [#tpu.dimension_semantics<arbitrary>, #tpu.dimension_semantics<arbitrary>], iteration_bounds = array<i64: 13, 8>, scalar_prefetch = 0 : i64, scratch_operands = 0 : i64, tpu.core_type = #tpu.core_type<tc>, window_params = [{transform_indices = @transform_0, window_bounds = array<i64: 2048, 128>}, {transform_indices = @transform_1, window_bounds = array<i64: 128, 2048>}]} {
    %get3A = arith.constant 0 : index
    %get3A_0 = arith.constant 0 : index
    %get3A_1 = vector.load %arg2[%get3A, %get3A_0] : memref<2048x128xf32, #tpu.memory_space<vmem>>, vector<2048x128xf32>
    %transpose3A = tpu.transpose %get3A_1, [1, 0] : vector<2048x128xf32> -> vector<128x2048xf32>
    %swap3A = arith.constant 0 : index
    %swap3A_2 = arith.constant 0 : index
    %swap3A_3 = vector.load %arg3[%swap3A, %swap3A_2] : memref<128x2048xf32, #tpu.memory_space<vmem>>, vector<128x2048xf32>
    tpu.vector_store %arg3[%swap3A, %swap3A_2], %transpose3A {strides = array<i32>} : memref<128x2048xf32, #tpu.memory_space<vmem>>, vector<128x2048xf32>,
    return
  }
  func.func @transform_0(%arg0: i32, %arg1: i32) -> (i32, i32) {
    %mul3A = arith.constant 8 : i32
    %mul3A_0 = arith.muli %arg0, %mul3A : i32
    %add3A = arith.addi %mul3A_0, %arg1 : i32
    %c0_i32 = arith.constant 0 : i32
    %c0_i32_1 = arith.constant 0 : i32
    return %add3A, %c0_i32 : i32, i32
  }
  func.func @transform_1(%arg0: i32, %arg1: i32) -> (i32, i32) {
    %c0_i32 = arith.constant 0 : i32
    return %arg0, %arg1 : i32, i32
  }
}

</mosaic_0001>

<sc_bundles>
// kernel: kernel.4.cloned.1.call-start
scs
__scs_entry_jumppad:
0x0: {  	(pc) =	sbr.rel $0x88, $3  }
0x1: {  	(tag) =	ssettag $0x0;
	lr =	simm.s32 $0x1  }
0x2: {  	[smem:$0x3F9F] =	sst lr;
	_ =	strace $0xD0000000  }
0x3: {  	_ = 	snop  }
0x4: {  	_ = 	snop  }
0x5: {  	_ = 	snop  }
0x6: {  	_ = 	snop  }
0x7: {  	_ = 	snop  }
__scs_overlays_trampoline_lowered:
0x8: {  	[smem:$0x3FAE] =	sst s0  }
0x9: {  	[smem:$0x3FAF] =	sst s1  }
0xa: {  	[smem:$0x3FB0] =	sst s2  }
0xb: {  	[smem:$0x3FB1] =	sst s3  }
0xc: {  	[smem:$0x3FB2] =	sst s4  }
0xd: {  	[smem:$0x3FB3] =	sst s5  }
0xe: {  	[smem:$0x3FB4] =	sst s6  }
0xf: {  	[smem:$0x3FB5] =	sst s7  }
0x10: {  	[smem:$0x3FB6] =	sst s8  }
0x11: {  	[smem:$0x3FB7] =	sst s9;
	s0 =	simm.s32 @!p0 $0x0  }
0x12: {  	s1 =	sld [smem:$0x3F9D];
	s0 =	simm.s32 @p0 $0x1  }
0x13: {  	[smem:$0x3FB8] =	sst s0;
	s0 =	simm.s32 @!p1 $0x0  }
0x14: {  	s2 =	sld [smem:$0x3F9C];
	s0 =	simm.s32 @p1 $0x1  }
0x15: {  	[smem:$0x3FB9] =	sst s0;
	s0 =	simm.s32 @!p2 $0x0  }
0x16: {  	s3 =	sld [smem:$0x3FDB];
	s0 =	simm.s32 @p2 $0x1  }
0x17: {  	s4 =	simm.s32 $0x1BF5;
	[smem:$0x3FBB] =	sst s0  }
0x18: {  	s0 =	sld [smem:$0x3F9E];
	_ =	swait.ge [sflag:s4], $0x0  }
0x19: {  	s7 =	sld [smem:$0x3F9F]  }
0x1a: {  	s8 =	sadd.s32 $0xFFFFE003, lr  }
0x1b: {  	s9 =	sadd.s32 $0xFFFFFEF7, lr;
	s5 =	simm.s32 $0xFFFFFFFF;
	p2 =	slt.u32 s8, $0xFFFFF086  }
0x1c: {  	p1 =	slt.u32 s9, $0xF7A;
	s5 =	simm.s32 @!p2 $0x0  }
0x1d: {  	s5 =	simm.s32 @p1 $0x1;
	p0 =	seq.s32 s7, s2  }
0x1e: {  	s7 =	smul.u32 @!p0 $0xF7A, s2;
	p2 =	seq.s32 @!p0 s5, $0x0  }
0x1f: {  	s9 =	smul.u32 $0xF7A, s1;
	s8 =	simm.s32 @!p0 $0x1BF5;
	p2 =	por !p2, p0  }
0x20: {  	[sflag:s8] =	ssyncset.s32 @!p0 $0xFFFFF086;
	s6 =	sadd.s32 @!p0 s3, s7;
	s7 =	simm.s32 @!p0 $0x108  }
0x21: {  	s3 =	sadd.s32 s3, s9;
	s6 =	sadd.s32 @!p0 $0x88, s6;
	s7 =	simm.s32 @p2 $0x1082  }
0x22: {  	[simem:s7], [sflag:s8] =	dma.local @!p0 [hbm:s6], $0xF7A  }
0x23: {  	s9 =	sor.u32 $0xD0000000, s2;
	s6 =	simm.s32 $0x108;
	_ =	swait.ge @!p0 [sflag:s8], $0x0  }
0x24: {  	s3 =	sadd.s32 $0x88, s3;
	s6 =	simm.s32 @!p1 $0x1082;
	[sflag:s4] =	ssyncset.s32 $0xFFFFF086  }
0x25: {  	[simem:s6], [sflag:s4] =	dma.local [hbm:s3], $0xF7A  }
0x26: {  	[smem:$0x3F9F] =	sst s1;
	(tag) =	ssettag s2;
	_ =	strace s9  }
0x27: {  	s1 =	sld [smem:$0x3FAF]  }
0x28: {  	s2 =	sld [smem:$0x3FB0]  }
0x29: {  	s4 =	sld [smem:$0x3FB2]  }
0x2a: {  	p0 =	seq.s32 s5, $0x0;
	s5 =	sld [smem:$0x3FB3]  }
0x2b: {  	s6 =	sld [smem:$0x3FB4]  }
0x2c: {  	s7 =	sld [smem:$0x3FB5]  }
0x2d: {  	s3 =	simm.s32 $0x108;
	s8 =	sld [smem:$0x3FB6]  }
0x2e: {  	s3 =	simm.s32 @!p0 $0x1082;
	s9 =	sld [smem:$0x3FB7]  }
0x2f: {  	lr =	sadd.s32 s0, s3;
	s0 =	sld [smem:$0x3FAE]  }
0x30: {  	s3 =	sld [smem:$0x3FB1]  }
0x31: {  	[smem:$0x3FBA] =	sst s10  }
0x32: {  	s10 =	sld [smem:$0x3FB8];
	_ =	sdelay $0x3  }
0x33: {  	p0 =	seq.s32 s10, $0x1;
	s10 =	sld [smem:$0x3FBA];
	_ =	sdelay $0x3  }
0x34: {  	[smem:$0x3FBA] =	sst s10  }
0x35: {  	s10 =	sld [smem:$0x3FB9];
	_ =	sdelay $0x3  }
0x36: {  	p1 =	seq.s32 s10, $0x1;
	s10 =	sld [smem:$0x3FBA];
	_ =	sdelay $0x3  }
0x37: {  	[smem:$0x3FBA] =	sst s10  }
0x38: {  	s10 =	sld [smem:$0x3FBB]  }
0x39: {  	_ = 	snop;
	(pc) =	sbr.ind lr, $3  }
0x3a: {  	_ = 	snop  }
0x3b: {  	_ = 	snop  }
0x3c: {  	p2 =	seq.s32 s10, $0x1;
	s10 =	sld [smem:$0x3FBA]  }
0x3d: {  	_ =	shalt  }
0x3e: {  	_ =	shalt  }
0x3f: {  	_ =	shalt  }
0x40: {  	_ =	shalt  }
0x41: {  	_ =	shalt  }
0x42: {  	_ =	shalt  }
0x43: {  	_ =	shalt  }
0x44: {  	_ =	shalt  }
0x45: {  	_ =	shalt  }
0x46: {  	_ =	shalt  }
0x47: {  	_ =	shalt  }
0x48: {  	_ =	shalt  }
0x49: {  	_ =	shalt  }
0x4a: {  	_ =	shalt  }
0x4b: {  	_ =	shalt  }
0x4c: {  	_ =	shalt  }
0x4d: {  	_ =	shalt  }
0x4e: {  	_ =	shalt  }
0x4f: {  	_ =	shalt  }
0x50: {  	_ =	shalt  }
0x51: {  	_ =	shalt  }
0x52: {  	_ =	shalt  }
0x53: {  	_ =	shalt  }
0x54: {  	_ =	shalt  }
0x55: {  	_ =	shalt  }
0x56: {  	_ =	shalt  }
0x57: {  	_ =	shalt  }
0x58: {  	_ =	shalt  }
0x59: {  	_ =	shalt  }
0x5a: {  	_ =	shalt  }
0x5b: {  	_ =	shalt  }
0x5c: {  	_ =	shalt  }
0x5d: {  	_ =	shalt  }
0x5e: {  	_ =	shalt  }
0x5f: {  	_ =	shalt  }
0x60: {  	_ =	shalt  }
0x61: {  	_ =	shalt  }
0x62: {  	_ =	shalt  }
0x63: {  	_ =	shalt  }
0x64: {  	_ =	shalt  }
0x65: {  	_ =	shalt  }
0x66: {  	_ =	shalt  }
0x67: {  	_ =	shalt  }
0x68: {  	_ =	shalt  }
0x69: {  	_ =	shalt  }
0x6a: {  	_ =	shalt  }
0x6b: {  	_ =	shalt  }
0x6c: {  	_ =	shalt  }
0x6d: {  	_ =	shalt  }
0x6e: {  	_ =	shalt  }
0x6f: {  	_ =	shalt  }
0x70: {  	_ =	shalt  }
0x71: {  	_ =	shalt  }
0x72: {  	_ =	shalt  }
0x73: {  	_ =	shalt  }
0x74: {  	_ =	shalt  }
0x75: {  	_ =	shalt  }
0x76: {  	_ =	shalt  }
0x77: {  	_ =	shalt  }
0x78: {  	_ =	shalt  }
0x79: {  	_ =	shalt  }
0x7a: {  	_ =	shalt  }
0x7b: {  	_ =	shalt  }
0x7c: {  	_ =	shalt  }
0x7d: {  	_ =	shalt  }
0x7e: {  	_ =	shalt  }
0x7f: {  	_ =	shalt  }
0x80: {  	_ =	shalt  }
0x81: {  	_ =	shalt  }
0x82: {  	_ =	shalt  }
0x83: {  	_ =	shalt  }
0x84: {  	_ =	shalt  }
0x85: {  	_ =	shalt  }
0x86: {  	_ =	shalt  }
0x87: {  	_ =	shalt  }
.Lfunc_end0:
.L_simem_size_0:
called_computation_lowered:
.L_overlay_start_0:
0x88: {  	s2 =	sld [smem:$0x3FD9]  }
0x89: {  	s3 =	sld [smem:$0x3FFE];
	_ =	sdelay $0x1  }
0x8a: {  	s1 =	srdreg.scid  }
0x8b: {  	s0 =	sand.u32 $0x1, s1  }
0x8c: {  	s17 =	sshll.u32 s0, $0xA;
	s2 =	sadd.s32 s3, s2  }
0x8d: {  	s2 =	sadd.s32 s2, s17  }
0x8e: {  	[smem:$0x3FC6] =	sst s2  }
0x8f: {  	_ = 	snop  }
0x90: {  	s2 =	sld [smem:$0x3FD0];
	(tm) =	ssettm $0x1  }
0x91: {  	s18 =	sld [smem:$0x3FFB];
	_ =	sdelay $0x3  }
0x92: {  	_ =	strace s18  }
0x93: {  	s3 =	sld [smem:$0x3FFC];
	_ =	sdelay $0x3  }
0x94: {  	_ =	strace s3  }
0x95: {  	s3 =	sld [smem:$0x3FFD];
	_ =	sdelay $0x3  }
0x96: {  	_ =	strace s3  }
0x97: {  	_ =	strace $0x8FFFFFFF  }
0x98: {  	s19 =	sld [smem:$0x3FDB];
	_ =	sdelay $0x1  }
0x99: {  	s4 =	simm.s32 $_scs_section_size  }
0x9a: {  	s5 =	simm.s32 $_size__tile_overlayer_lowered;
	s6 =	simm.s32 $_tile_overlayer_lowered  }
0x9b: {  	s22 =	simm.s32 $0x1BFF;
	s21 =	sshll.u32 s6, $0x1;
	s3 =	sadd.s32 s4, s19  }
0x9c: {  	s7 =	simm.s32 $0x0;
	s20 =	sshll.u32 s5, $0x1;
	s5 =	sadd.s32 s21, s3  }
0x9d: {  	[timem:s7], [sflag:s22] =	dma.local [hbm:s5], s20  }
0x9e: {  	_ =	swait.ge [sflag:s22], s20  }
0x9f: {  	s4 =	ssub.s32 $0x0, s20;
	[sflag:s22] =	ssyncset.done $0x0  }
0xa0: {  	[sflag:s22] =	ssyncadd.s32 s4;
	_ =	sdelay $0x1  }
0xa1: {  	s23 =	simm.s32 $0x1B8B  }
0xa2: {  	_ =	swait.ge [sflag:s23], $0x1  }
0xa3: {  	[sflag:s23] =	ssyncset.done $0x0  }
0xa4: {  	s25 =	simm.s32 $0x1B8E;
	s24 =	sld [smem:$0x3FFE];
	[sflag:s23] =	ssyncadd.s32 $0xFFFFFFFF  }
0xa5: {  	s26 =	simm.s32 $execute0_lowered;
	[smem:$0x3FD2] =	sst s25  }
0xa6: {  	s5 =	sshll.u32 s26, $0x1;
	_ =	strace $0x80000046;
	[dreg:$0x1] =	wrdreg $0xFFFFFFFF  }
0xa7: {  	s28 =	simm.s32 $_size_execute0_lowered;
	s3 =	sadd.s32 s3, s5;
	[dreg:$0x0] =	wrdreg $0x0  }
0xa8: {  	s5 =	sshll.u32 s28, $0x1;
	[dreg:$0x2] =	wrdreg s3  }
0xa9: {  	[dreg:$0x3] =	wrdreg s5  }
0xaa: {  	[dreg:$0x4] =	wrdreg $0xC0  }
0xab: {  	_ =	task [dreg:s7], $0x5FFFF  }
0xac: {  	[dreg:$0x1] =	wrdreg $0xFFFFFFFF  }
0xad: {  	[dreg:$0x0] =	wrdreg $0x60  }
0xae: {  	[dreg:$0x2] =	wrdreg s24  }
0xaf: {  	[dreg:$0x3] =	wrdreg s2  }
0xb0: {  	[dreg:$0x4] =	wrdreg $0x9  }
0xb1: {  	_ =	task.clear_ibuf [dreg:s7], $0x5FFFF;
	_ =	strace $0x90000046  }
0xb2: {  	s29 =	simm.s32 $0x9;
	_ =	strace $0x80000048  }
0xb3: {  	_ =	swait.ge [sflag:s29], $0x1  }
0xb4: {  	[sflag:s29] =	ssyncadd.s32 $0xFFFFFFFF  }
0xb5: {  	_ =	strace $0x90000048  }
0xb6: {  	_ =	sfence  }
0xb7: {  	s30 =	sld [smem:$0x0];
	_ =	sdelay $0x2  }
0xb8: {  	s31 =	sshll.u32 s1, $0xD;
	s1 =	sshrl.u32 s1, $0x2  }
0xb9: {  	s3 =	sand.u32 $0x4000, s31;
	s1 =	sadd.s32 s1, s30  }
0xba: {  	s0 =	sor.u32 s3, s0;
	s1 =	sshll.u32 s1, $0x11  }
0xbb: {  	s0 =	sor.u32 s1, s0  }
0xbc: {  	s0 =	sadd.s32 $0x8F2B, s0  }
0xbd: {  	[sflag:s0] =	ssyncadd.remote.s32 $0x1  }
0xbe: {  	_ =	sfence.sel $0xFFFF  }
0xbf: {  	[dreg:$0x0] =	wrdreg $0xFFFFFFFF;
	(pc) =	sbr.abs _section_cstart, $3  }
0xc0: {  	[dreg:$0x1] =	wrdreg $0xFFFFFFFF  }
0xc1: {  	_ =	task.clear_ibuf [dreg:s7], $0x2FFFF;
	_ =	strace $0x9FFFFFFF  }
0xc2: {  	(tm) =	ssettm $0x7FFFFFFF  }
0xc3: {  	_ =	shalt  }
tec
execute0_lowered:
.L_overlay_start_1:
0x0: {  	(tag) =	ssettag $0x1  }
0x1: {  	s1 =	srdreg.scid;
	s4 =	rddreg [dreg:$0x0]  }
0x2: {  	s0 =	stileid.u32;
	s2 =	rddreg [dreg:$0x1];
	s3 =	simm.s32 $0x0  }
0x3: {  	s11 =	simm.s32 $0x5;
	s12 =	simm.s32 $0x3400;
	s13 =	simm.s32 $0x1  }
0x4: {  	s14 =	simm.s32 $0x40;
	s15 =	simm.s32 $0x80;
	s16 =	simm.s32 $0xB400  }
0x5: {  	s17 =	simm.s32 $0x2;
	s18 =	simm.s32 $0x3;
	s19 =	simm.s32 $0x400  }
0x6: {  	s20 =	simm.s32 $0x4;
	s7 =	sand.u32 $0x1, s1;
	s1 =	rddreg [dreg:$0x2]  }
0x7: {  	s21 =	simm.s32 $0x0;
	s5 =	sshll.u32 s0, $0xA;
	[smem:$0x7FF] =	sst s3  }
0x8: {  	s10 =	sadd.s32 $0xD600, s4;
	s30 =	sshll.u32 s0, $0xE;
	s6 =	sshll.u32 s7, $0x9  }
0x9: {  	s8 =	ssub.s32 $0x2, s7;
	_ =	strace $0x80000047;
	s31 =	sshll.u32 s7, $0xD  }
.Ltmp0:
0xa: {  	s5 =	sor.u32 s6, s5;
	s9 =	sshrl.u32 s8, $0x1;
	(pc) =	sbr.rel .LBB2_1-.Ltmp0, $4  }
0xb: {  	s6 =	sshrl.u32 s5, $0x3;
	s8 =	ssub.s32 s8, s9;
	s29 =	sshll.u32 s5, $0x4  }
0xc: {  	s9 =	simm.s32 $0x200;
	s6 =	sadd.s32 s6, s4;
	s5 =	smax.u32 s8, $0x1  }
0xd: {  	s8 =	sadd.s32 s30, s10;
	s4 =	sadd.s32 $0x600, s6;
	s6 =	sadd.s32 s10, s29  }
0xe: {  	s8 =	sadd.s32 s31, s8;
	s10 =	simm.s32 $0x4000;
	s7 =	sadd.s32 $0x8, s6  }
.LBB2_4:
0xf: {  	s21 =	sadd.s32 $0x1, s21  }
0x10: {  	p0 =	sne.s32 s21, s5  }
.Ltmp1:
0x11: {  	_ = 	snop;
	(pc) =	sbr.rel @!p0 .LBB2_5-.Ltmp1, $4  }
0x12: {  	_ = 	snop  }
0x13: {  	_ =	swait.ge [sflag:s20], $0x8000  }
0x14: {  	[sflag:s20] =	ssyncset.done $0x0  }
0x15: {  	[sflag:s20] =	ssyncadd.s32 $0xFFFF8000  }
.LBB2_1:
0x16: {  	[tilespmem:s3], [sflag:$0x5] =	stream.strided.gather [hbm4b:s4+s9], $0x3400, s10, s9, $0x38;
	[tilespmem:$0x13400] =	vst v63  }
0x17: {  	_ =	swait.ge [sflag:s11], $0x3400  }
0x18: {  	[sflag:s11] =	ssyncset.done $0x0  }
0x19: {  	[sflag:s11] =	ssyncadd.s32 $0xFFFFCC00  }
0x1a: {  	[tilespmem:s12], [sflag:$0x1] =	stream.indirect.gather [hbm4b:s2+s9], $0x40, s3, s9, $0xb8;
	[tilespmem:$0x13400] =	vst v63  }
0x1b: {  	_ =	swait.ge [sflag:s13], $0x8000  }
0x1c: {  	[sflag:s13] =	ssyncset.done $0x0  }
0x1d: {  	[sflag:s13] =	ssyncadd.s32 $0xFFFF8000  }
0x1e: {  	[hbm4b:s6+s14] =	stream.strided.scatter [tilespmem:s12], [sflag:$0x3], $0x8000, s15, s14, $0x38;
	[tilespmem:$0x13400] =	vst v63  }
0x1f: {  	_ = 	snop  }
0x20: {  	[tilespmem:s16], [sflag:$0x2] =	stream.indirect.gather [hbm4b:s2+s9], $0x40, s9, s9, $0xb8;
	[tilespmem:$0x13400] =	vst v63  }
0x21: {  	_ =	swait.ge [sflag:s17], $0x8000  }
0x22: {  	[sflag:s17] =	ssyncset.done $0x0  }
0x23: {  	[sflag:s17] =	ssyncadd.s32 $0xFFFF8000  }
0x24: {  	[hbm4b:s7+s14] =	stream.strided.scatter [tilespmem:s16], [sflag:$0x4], $0x8000, s15, s14, $0x38;
	[tilespmem:$0x13400] =	vst v63  }
0x25: {  	_ =	swait.ge [sflag:s18], $0x8000  }
0x26: {  	[sflag:s18] =	ssyncset.done $0x0  }
0x27: {  	s22 =	simm.s32 $0x800;
	s23 =	simm.s32 $0x0;
	[sflag:s18] =	ssyncadd.s32 $0xFFFF8000  }
0x28: {  	[tilespmem:s12], [sflag:$0x1] =	stream.indirect.gather [hbm4b:s2+s9], $0x40, s19, s9, $0xb8;
	[tilespmem:$0x13400] =	vst v63  }
.LBB2_2:
0x29: {  	_ =	swait.ge [sflag:s13], $0x8000  }
0x2a: {  	s24 =	sadd.s32 s23, s8;
	[sflag:s13] =	ssyncset.done $0x0  }
0x2b: {  	s25 =	sadd.s32 $0x40000, s24;
	[sflag:s13] =	ssyncadd.s32 $0xFFFF8000  }
0x2c: {  	[hbm4b:s25+s14] =	stream.strided.scatter [tilespmem:s12], [sflag:$0x3], $0x8000, s15, s14, $0x38;
	[tilespmem:$0x13400] =	vst v63  }
0x2d: {  	_ =	swait.ge [sflag:s20], $0x8000  }
0x2e: {  	[sflag:s20] =	ssyncset.done $0x0  }
0x2f: {  	s31 =	sadd.s32 $0xFFFFFE00, s22;
	[sflag:s20] =	ssyncadd.s32 $0xFFFF8000  }
0x30: {  	[tilespmem:s16], [sflag:$0x2] =	stream.indirect.gather [hbm4b:s2+s9], $0x40, s31, s9, $0xb8;
	[tilespmem:$0x13400] =	vst v63  }
0x31: {  	_ =	swait.ge [sflag:s17], $0x8000  }
0x32: {  	p0 =	seq.s32 s23, $0x2C0000;
	[sflag:s17] =	ssyncset.done $0x0  }
.Ltmp2:
0x33: {  	s24 =	sadd.s32 $0x40008, s24;
	[sflag:s17] =	ssyncadd.s32 $0xFFFF8000;
	(pc) =	sbr.rel @p0 .LBB2_4-.Ltmp2, $4  }
0x34: {  	[hbm4b:s24+s14] =	stream.strided.scatter [tilespmem:s16], [sflag:$0x4], $0x8000, s15, s14, $0x38;
	[tilespmem:$0x13400] =	vst v63  }
0x35: {  	_ =	swait.ge [sflag:s18], $0x8000  }
0x36: {  	[sflag:s18] =	ssyncset.done $0x0  }
0x37: {  	[sflag:s18] =	ssyncadd.s32 $0xFFFF8000  }
.Ltmp3:
0x38: {  	(pc) =	sbr.rel .LBB2_2-.Ltmp3, $3  }
0x39: {  	_ =	sdelay $0x1  }
0x3a: {  	[tilespmem:s12], [sflag:$0x1] =	stream.indirect.gather [hbm4b:s2+s9], $0x40, s22, s9, $0xb8;
	[tilespmem:$0x13400] =	vst v63  }
0x3b: {  	s23 =	sadd.s32 $0x40000, s23;
	s22 =	sadd.s32 $0x400, s22  }
.LBB2_5:
0x3c: {  	_ =	sfence.sel $0x180000  }
0x3d: {  	[bflag:$0x0] =	sbarrier.arrive $0xFFFF  }
0x3e: {  	p0 =	sne.s32 s0, $0x0;
	_ =	strace $0x90000047  }
0x3f: {  	s0 =	sadd.s32 @!p0 $0x100000, s1;
	[bflag:$0x2] =	sbarrier.arrive $0xFFFF  }
0x40: {  	[sflag:s0] =	ssyncadd.tile.s32 @!p0 $0x1;
	_ =	shalt  }
.Lfunc_end2:
_tile_overlayer_lowered:
.L_overlay_start_2:
0x41: {  	(tag) =	ssettag $0x2  }
0x42: {  	s0 =	rddreg [dreg:$0x0];
	s2 =	stileid.u32  }
0x43: {  	s1 =	rddreg [dreg:$0x1];
	p0 =	sne.s32 s2, $0x0  }
0x44: {  	s3 =	rddreg [dreg:$0x2];
	[bflag:$0x3] =	sbarrier.arrive $0xFFFF;
	s2 =	simm.s32 @!p0 $0x1C05  }
0x45: {  	[timem:s3], [sflag:s2] =	dma.local @!p0 [hbm:s0], s1  }
0x46: {  	s0 =	simm.s32 @!p0 $0x5  }
0x47: {  	_ =	swait.ge @!p0 [sflag:s0], s1  }
0x48: {  	s1 =	ssub.s32 @!p0 $0x0, s1;
	[sflag:s0] =	ssyncset.done @!p0 $0x0  }
0x49: {  	[sflag:s0] =	ssyncadd.s32 @!p0 s1  }
0x4a: {  	[bflag:$0x3] =	sbarrier.arrive $0xFFFF  }
0x4b: {  	_ =	shalt  }

</sc_bundles>
